<compile_context>
chip_gen: v7x
topology: tpu7x:2x2x1
jax: 0.10.2.dev20260603
libtpu: 0.0.44.dev20260713+nightly
codegen_flags: <defaults>
</compile_context>

<pallas_src>
import functools

import jax
import jax.numpy as jnp
from jax import lax
from jax.experimental import pallas as pl
from jax.experimental.pallas import tpu as pltpu
from jax.experimental.pallas import tpu_sc as plsc

NUM_BIOMES = 11
EMBED_DIM = 64
BATCH = 16384

_info = plsc.get_sparse_core_info()
_NC, _NS = _info.num_cores, _info.num_subcores
_NW = _NC * _NS
_B_PER_W = BATCH // _NW
_CHUNK = 128
_N_CHUNK = _B_PER_W // _CHUNK


def _make_gather():
    mesh = plsc.VectorSubcoreMesh(core_axis_name="c", subcore_axis_name="s")

    @functools.partial(
        pl.kernel,
        mesh=mesh,
        out_type=jax.ShapeDtypeStruct((BATCH, EMBED_DIM), jnp.float32),
        compiler_params=pltpu.CompilerParams(
            use_tc_tiling_on_sc=False,
            skip_device_barrier=True,
            disable_semaphore_checks=True,
        ),
        scratch_types=[
            pltpu.VMEM((_N_CHUNK, _CHUNK), jnp.int32),
            pltpu.VMEM((_B_PER_W, EMBED_DIM), jnp.float32),
            pltpu.VMEM_SHARED((NUM_BIOMES, EMBED_DIM), jnp.float32),
            pltpu.SemaphoreType.DMA,
            pltpu.SemaphoreType.DMA,
            pltpu.SemaphoreType.DMA,
        ],
    )
    def gather_kernel(idx_hbm, table_hbm, out_hbm, idx_v, rows_v, table_sh,
                      sem_i, sem_g, sem_w):
        sid = lax.axis_index("s")
        wid = sid * _NC + lax.axis_index("c")
        base = wid * _B_PER_W
        @pl.when(sid == 0)
        def _():
            pltpu.sync_copy(table_hbm, table_sh)
        idx_cp = [
            pltpu.async_copy(idx_hbm.at[pl.ds(base + j * _CHUNK, _CHUNK)],
                             idx_v.at[j], sem_i)
            for j in range(_N_CHUNK)
        ]
        plsc.subcore_barrier()
        gathers = []
        for j in range(_N_CHUNK):
            idx_cp[j].wait()
            gathers.append(pltpu.async_copy(
                table_sh.at[idx_v.at[j]],
                rows_v.at[pl.ds(j * _CHUNK, _CHUNK)],
                sem_g,
            ))
        writes = []
        for j in range(_N_CHUNK):
            gathers[j].wait()
            writes.append(pltpu.async_copy(
                rows_v.at[pl.ds(j * _CHUNK, _CHUNK)],
                out_hbm.at[pl.ds(base + j * _CHUNK, _CHUNK)],
                sem_w,
            ))
        for w in writes:
            w.wait()

    return gather_kernel


_gather = _make_gather()


def kernel(biome_labels, table):
    idx = biome_labels.astype(jnp.int32)
    return _gather(idx, table)

# --- scband reference (transcript-rebuilt; emitter-appended) ---
"""Pipeline reference for scband-biome-embedding-39367670235748 (READ-ONLY COPY).

The authoritative reference and input builder live on the scoring server;
editing this copy changes nothing except your own understanding.
"""

import jax, jax.numpy as jnp
import numpy as np

NUM_BIOMES = 11
EMBED_DIM = 64
BATCH = 16384

def setup_inputs(seed: int = 0) -> dict:
    key = jax.random.key(seed)
    k_idx, k_tab = jax.random.split(key)
    biome_labels = jax.random.randint(k_idx, (BATCH,), 0, NUM_BIOMES, dtype=jnp.int64 if jax.config.jax_enable_x64 else jnp.int32)
    table = jax.random.normal(k_tab, (NUM_BIOMES, EMBED_DIM), dtype=jnp.float32)
    return {"biome_labels": biome_labels, "table": table}

def reference(biome_labels, table):
    # nn.Embedding lookup: gather rows of table by index
    return jnp.take(table, biome_labels, axis=0)

if __name__ == "__main__":
    import jax
    _d = setup_inputs()
    print(jax.jit(kernel)(*tuple(_d.values())))

</pallas_src>

<mosaic_0001>
#map = affine_map<(d0, d1) -> (0)>
#map1 = affine_map<(d0, d1) -> (0, 0)>
module attributes {stable_mosaic.version = 14 : i64} {
  func.func @gather_kernel(%arg0: i32, %arg1: i32, %arg2: memref<16384xi32, #tpu.memory_space<hbm>>, %arg3: memref<11x64xf32, #tpu.memory_space<hbm>>, %arg4: memref<16384x64xf32, #tpu.memory_space<hbm>>, %arg5: memref<4x128xi32, #tpu.memory_space<vmem>>, %arg6: memref<512x64xf32, #tpu.memory_space<vmem>>, %arg7: memref<11x64xf32, #tpu.memory_space<vmem_shared>>, %arg8: memref<!tpu.dma_semaphore, #tpu.memory_space<semaphore_mem>>, %arg9: memref<!tpu.dma_semaphore, #tpu.memory_space<semaphore_mem>>, %arg10: memref<!tpu.dma_semaphore, #tpu.memory_space<semaphore_mem>>) attributes {dimension_semantics = [#tpu.dimension_semantics<core_parallel>, #tpu.dimension_semantics<subcore_parallel>], iteration_bounds = array<i64: 2, 16>, scalar_prefetch = 0 : i64, scratch_operands = 6 : i64, tpu.core_type = #tpu.core_type<sc_vector_subcore>, window_params = [{transform_indices = #map}, {transform_indices = #map1}, {transform_indices = #map1}]} {
    %mul3A = arith.constant 2 : i32
    %mul3A_0 = arith.muli %arg1, %mul3A : i32
    %add3A = arith.addi %mul3A_0, %arg0 : i32
    %mul3A_1 = arith.constant 512 : i32
    %mul3A_2 = arith.muli %add3A, %mul3A_1 : i32
    %eq3A = arith.constant 0 : i32
    %eq3A_3 = arith.cmpi eq, %arg1, %eq3A : i32
    %convert_element_type3A = arith.extui %eq3A_3 : i1 to i32
    %cond3A = arith.constant 0 : i32
    %cond3A_4 = arith.cmpi ne, %convert_element_type3A, %cond3A : i32
    scf.if %cond3A_4 {
      "tpu.region"() ({
        %run_scoped3A = tpu.sem_alloc : memref<!tpu.dma_semaphore, #tpu.memory_space<semaphore_mem>>
        tpu.enqueue_dma source(%arg3 : memref<11x64xf32, #tpu.memory_space<hbm>>) target(%arg7 : memref<11x64xf32, #tpu.memory_space<vmem_shared>>) target_semaphore(%run_scoped3A : memref<!tpu.dma_semaphore, #tpu.memory_space<semaphore_mem>>)
        tpu.wait_dma2 semaphore(%run_scoped3A : memref<!tpu.dma_semaphore, #tpu.memory_space<semaphore_mem>>) src(%arg3 : memref<11x64xf32, #tpu.memory_space<hbm>>) dst(%arg7 : memref<11x64xf32, #tpu.memory_space<vmem_shared>>)
        tpu.yield
      }) : () -> ()
    } else {
    }
    %add3A_5 = arith.constant 0 : i32
    %add3A_6 = arith.addi %mul3A_2, %add3A_5 : i32
    %dma_start3A = arith.constant 0 : i32
    %dma_start3A_7 = arith.constant 0 : i32
    %dma_start3A_8 = tpu.memref_slice %arg5[%dma_start3A, %dma_start3A_7] : memref<4x128xi32, #tpu.memory_space<vmem>> -> memref<1x128xi32, #tpu.memory_space<vmem>>
    %dma_start3A_9 = tpu.memref_squeeze %dma_start3A_8 : memref<1x128xi32, #tpu.memory_space<vmem>> -> memref<128xi32, #tpu.memory_space<vmem>>
    %dma_start3A_10 = tpu.memref_slice %arg2[%add3A_6] : memref<16384xi32, #tpu.memory_space<hbm>> -> memref<128xi32, #tpu.memory_space<hbm>>
    %dma_start3A_11 = arith.constant 0 : i32
    %dma_start3A_12 = tpu.memref_slice %arg5[%dma_start3A, %dma_start3A_11] : memref<4x128xi32, #tpu.memory_space<vmem>> -> memref<1x128xi32, #tpu.memory_space<vmem>>
    %dma_start3A_13 = tpu.memref_squeeze %dma_start3A_12 : memref<1x128xi32, #tpu.memory_space<vmem>> -> memref<128xi32, #tpu.memory_space<vmem>>
    %dma_start3A_14 = tpu.memref_slice %arg2[%add3A_6] : memref<16384xi32, #tpu.memory_space<hbm>> -> memref<128xi32, #tpu.memory_space<hbm>>
    tpu.enqueue_dma source(%dma_start3A_14 : memref<128xi32, #tpu.memory_space<hbm>>) target(%dma_start3A_13 : memref<128xi32, #tpu.memory_space<vmem>>) target_semaphore(%arg8 : memref<!tpu.dma_semaphore, #tpu.memory_space<semaphore_mem>>)
    %add3A_15 = arith.constant 128 : i32
    %add3A_16 = arith.addi %mul3A_2, %add3A_15 : i32
    %dma_start3A_17 = arith.constant 1 : i32
    %dma_start3A_18 = arith.constant 0 : i32
    %dma_start3A_19 = tpu.memref_slice %arg5[%dma_start3A_17, %dma_start3A_18] : memref<4x128xi32, #tpu.memory_space<vmem>> -> memref<1x128xi32, #tpu.memory_space<vmem>>
    %dma_start3A_20 = tpu.memref_squeeze %dma_start3A_19 : memref<1x128xi32, #tpu.memory_space<vmem>> -> memref<128xi32, #tpu.memory_space<vmem>>
    %dma_start3A_21 = tpu.memref_slice %arg2[%add3A_16] : memref<16384xi32, #tpu.memory_space<hbm>> -> memref<128xi32, #tpu.memory_space<hbm>>
    %dma_start3A_22 = arith.constant 0 : i32
    %dma_start3A_23 = tpu.memref_slice %arg5[%dma_start3A_17, %dma_start3A_22] : memref<4x128xi32, #tpu.memory_space<vmem>> -> memref<1x128xi32, #tpu.memory_space<vmem>>
    %dma_start3A_24 = tpu.memref_squeeze %dma_start3A_23 : memref<1x128xi32, #tpu.memory_space<vmem>> -> memref<128xi32, #tpu.memory_space<vmem>>
    %dma_start3A_25 = tpu.memref_slice %arg2[%add3A_16] : memref<16384xi32, #tpu.memory_space<hbm>> -> memref<128xi32, #tpu.memory_space<hbm>>
    tpu.enqueue_dma source(%dma_start3A_25 : memref<128xi32, #tpu.memory_space<hbm>>) target(%dma_start3A_24 : memref<128xi32, #tpu.memory_space<vmem>>) target_semaphore(%arg8 : memref<!tpu.dma_semaphore, #tpu.memory_space<semaphore_mem>>)
    %add3A_26 = arith.constant 256 : i32
    %add3A_27 = arith.addi %mul3A_2, %add3A_26 : i32
    %dma_start3A_28 = arith.constant 2 : i32
    %dma_start3A_29 = arith.constant 0 : i32
    %dma_start3A_30 = tpu.memref_slice %arg5[%dma_start3A_28, %dma_start3A_29] : memref<4x128xi32, #tpu.memory_space<vmem>> -> memref<1x128xi32, #tpu.memory_space<vmem>>
    %dma_start3A_31 = tpu.memref_squeeze %dma_start3A_30 : memref<1x128xi32, #tpu.memory_space<vmem>> -> memref<128xi32, #tpu.memory_space<vmem>>
    %dma_start3A_32 = tpu.memref_slice %arg2[%add3A_27] : memref<16384xi32, #tpu.memory_space<hbm>> -> memref<128xi32, #tpu.memory_space<hbm>>
    %dma_start3A_33 = arith.constant 0 : i32
    %dma_start3A_34 = tpu.memref_slice %arg5[%dma_start3A_28, %dma_start3A_33] : memref<4x128xi32, #tpu.memory_space<vmem>> -> memref<1x128xi32, #tpu.memory_space<vmem>>
    %dma_start3A_35 = tpu.memref_squeeze %dma_start3A_34 : memref<1x128xi32, #tpu.memory_space<vmem>> -> memref<128xi32, #tpu.memory_space<vmem>>
    %dma_start3A_36 = tpu.memref_slice %arg2[%add3A_27] : memref<16384xi32, #tpu.memory_space<hbm>> -> memref<128xi32, #tpu.memory_space<hbm>>
    tpu.enqueue_dma source(%dma_start3A_36 : memref<128xi32, #tpu.memory_space<hbm>>) target(%dma_start3A_35 : memref<128xi32, #tpu.memory_space<vmem>>) target_semaphore(%arg8 : memref<!tpu.dma_semaphore, #tpu.memory_space<semaphore_mem>>)
    %add3A_37 = arith.constant 384 : i32
    %add3A_38 = arith.addi %mul3A_2, %add3A_37 : i32
    %dma_start3A_39 = arith.constant 3 : i32
    %dma_start3A_40 = arith.constant 0 : i32
    %dma_start3A_41 = tpu.memref_slice %arg5[%dma_start3A_39, %dma_start3A_40] : memref<4x128xi32, #tpu.memory_space<vmem>> -> memref<1x128xi32, #tpu.memory_space<vmem>>
    %dma_start3A_42 = tpu.memref_squeeze %dma_start3A_41 : memref<1x128xi32, #tpu.memory_space<vmem>> -> memref<128xi32, #tpu.memory_space<vmem>>
    %dma_start3A_43 = tpu.memref_slice %arg2[%add3A_38] : memref<16384xi32, #tpu.memory_space<hbm>> -> memref<128xi32, #tpu.memory_space<hbm>>
    %dma_start3A_44 = arith.constant 0 : i32
    %dma_start3A_45 = tpu.memref_slice %arg5[%dma_start3A_39, %dma_start3A_44] : memref<4x128xi32, #tpu.memory_space<vmem>> -> memref<1x128xi32, #tpu.memory_space<vmem>>
    %dma_start3A_46 = tpu.memref_squeeze %dma_start3A_45 : memref<1x128xi32, #tpu.memory_space<vmem>> -> memref<128xi32, #tpu.memory_space<vmem>>
    %dma_start3A_47 = tpu.memref_slice %arg2[%add3A_38] : memref<16384xi32, #tpu.memory_space<hbm>> -> memref<128xi32, #tpu.memory_space<hbm>>
    tpu.enqueue_dma source(%dma_start3A_47 : memref<128xi32, #tpu.memory_space<hbm>>) target(%dma_start3A_46 : memref<128xi32, #tpu.memory_space<vmem>>) target_semaphore(%arg8 : memref<!tpu.dma_semaphore, #tpu.memory_space<semaphore_mem>>)
    %barrier3A = arith.constant 0 : index
    tpu.barrier barrier_id(%barrier3A)
    %dma_wait3A = arith.constant 0 : i32
    %dma_wait3A_48 = arith.constant 0 : i32
    %dma_wait3A_49 = tpu.memref_slice %arg5[%dma_wait3A, %dma_wait3A_48] : memref<4x128xi32, #tpu.memory_space<vmem>> -> memref<1x128xi32, #tpu.memory_space<vmem>>
    %dma_wait3A_50 = tpu.memref_squeeze %dma_wait3A_49 : memref<1x128xi32, #tpu.memory_space<vmem>> -> memref<128xi32, #tpu.memory_space<vmem>>
    %dma_wait3A_51 = tpu.memref_slice %arg2[%add3A_6] : memref<16384xi32, #tpu.memory_space<hbm>> -> memref<128xi32, #tpu.memory_space<hbm>>
    %dma_wait3A_52 = arith.constant 0 : i32
    %dma_wait3A_53 = tpu.memref_slice %arg5[%dma_wait3A, %dma_wait3A_52] : memref<4x128xi32, #tpu.memory_space<vmem>> -> memref<1x128xi32, #tpu.memory_space<vmem>>
    %dma_wait3A_54 = tpu.memref_squeeze %dma_wait3A_53 : memref<1x128xi32, #tpu.memory_space<vmem>> -> memref<128xi32, #tpu.memory_space<vmem>>
    %dma_wait3A_55 = tpu.memref_slice %arg2[%add3A_6] : memref<16384xi32, #tpu.memory_space<hbm>> -> memref<128xi32, #tpu.memory_space<hbm>>
    tpu.wait_dma2 semaphore(%arg8 : memref<!tpu.dma_semaphore, #tpu.memory_space<semaphore_mem>>) src(%dma_wait3A_55 : memref<128xi32, #tpu.memory_space<hbm>>) dst(%dma_wait3A_54 : memref<128xi32, #tpu.memory_space<vmem>>)
    %dma_start3A_56 = arith.constant 0 : i32
    %dma_start3A_57 = arith.constant 0 : i32
    %dma_start3A_58 = arith.constant 0 : i32
    %dma_start3A_59 = tpu.memref_slice %arg6[%dma_start3A_57, %dma_start3A_58] : memref<512x64xf32, #tpu.memory_space<vmem>> -> memref<128x64xf32, #tpu.memory_space<vmem>>
    %dma_start3A_60 = arith.constant 0 : i32
    %dma_start3A_61 = tpu.memref_slice %arg5[%dma_start3A_56, %dma_start3A_60] : memref<4x128xi32, #tpu.memory_space<vmem>> -> memref<1x128xi32, #tpu.memory_space<vmem>>
    %dma_start3A_62 = tpu.memref_squeeze %dma_start3A_61 : memref<1x128xi32, #tpu.memory_space<vmem>> -> memref<128xi32, #tpu.memory_space<vmem>>
    %dma_start3A_63 = arith.constant 0 : i32
    %dma_start3A_64 = arith.constant 0 : i32
    %dma_start3A_65 = tpu.memref_slice %arg7[%dma_start3A_63, %dma_start3A_64] : memref<11x64xf32, #tpu.memory_space<vmem_shared>> -> memref<11x64xf32, #tpu.memory_space<vmem_shared>>
    tpu.enqueue_indirect_dma source(%dma_start3A_65 : memref<11x64xf32, #tpu.memory_space<vmem_shared>>) target(%dma_start3A_59 : memref<128x64xf32, #tpu.memory_space<vmem>>) offsets(%dma_start3A_62 : memref<128xi32, #tpu.memory_space<vmem>>) semaphore(%arg9 : memref<!tpu.dma_semaphore, #tpu.memory_space<semaphore_mem>>)
    %dma_wait3A_66 = arith.constant 1 : i32
    %dma_wait3A_67 = arith.constant 0 : i32
    %dma_wait3A_68 = tpu.memref_slice %arg5[%dma_wait3A_66, %dma_wait3A_67] : memref<4x128xi32, #tpu.memory_space<vmem>> -> memref<1x128xi32, #tpu.memory_space<vmem>>
    %dma_wait3A_69 = tpu.memref_squeeze %dma_wait3A_68 : memref<1x128xi32, #tpu.memory_space<vmem>> -> memref<128xi32, #tpu.memory_space<vmem>>
    %dma_wait3A_70 = tpu.memref_slice %arg2[%add3A_16] : memref<16384xi32, #tpu.memory_space<hbm>> -> memref<128xi32, #tpu.memory_space<hbm>>
    %dma_wait3A_71 = arith.constant 0 : i32
    %dma_wait3A_72 = tpu.memref_slice %arg5[%dma_wait3A_66, %dma_wait3A_71] : memref<4x128xi32, #tpu.memory_space<vmem>> -> memref<1x128xi32, #tpu.memory_space<vmem>>
    %dma_wait3A_73 = tpu.memref_squeeze %dma_wait3A_72 : memref<1x128xi32, #tpu.memory_space<vmem>> -> memref<128xi32, #tpu.memory_space<vmem>>
    %dma_wait3A_74 = tpu.memref_slice %arg2[%add3A_16] : memref<16384xi32, #tpu.memory_space<hbm>> -> memref<128xi32, #tpu.memory_space<hbm>>
    tpu.wait_dma2 semaphore(%arg8 : memref<!tpu.dma_semaphore, #tpu.memory_space<semaphore_mem>>) src(%dma_wait3A_74 : memref<128xi32, #tpu.memory_space<hbm>>) dst(%dma_wait3A_73 : memref<128xi32, #tpu.memory_space<vmem>>)
    %dma_start3A_75 = arith.constant 1 : i32
    %dma_start3A_76 = arith.constant 128 : i32
    %dma_start3A_77 = arith.constant 0 : i32
    %dma_start3A_78 = tpu.memref_slice %arg6[%dma_start3A_76, %dma_start3A_77] : memref<512x64xf32, #tpu.memory_space<vmem>> -> memref<128x64xf32, #tpu.memory_space<vmem>>
    %dma_start3A_79 = arith.constant 0 : i32
    %dma_start3A_80 = tpu.memref_slice %arg5[%dma_start3A_75, %dma_start3A_79] : memref<4x128xi32, #tpu.memory_space<vmem>> -> memref<1x128xi32, #tpu.memory_space<vmem>>
    %dma_start3A_81 = tpu.memref_squeeze %dma_start3A_80 : memref<1x128xi32, #tpu.memory_space<vmem>> -> memref<128xi32, #tpu.memory_space<vmem>>
    %dma_start3A_82 = arith.constant 0 : i32
    %dma_start3A_83 = arith.constant 0 : i32
    %dma_start3A_84 = tpu.memref_slice %arg7[%dma_start3A_82, %dma_start3A_83] : memref<11x64xf32, #tpu.memory_space<vmem_shared>> -> memref<11x64xf32, #tpu.memory_space<vmem_shared>>
    tpu.enqueue_indirect_dma source(%dma_start3A_84 : memref<11x64xf32, #tpu.memory_space<vmem_shared>>) target(%dma_start3A_78 : memref<128x64xf32, #tpu.memory_space<vmem>>) offsets(%dma_start3A_81 : memref<128xi32, #tpu.memory_space<vmem>>) semaphore(%arg9 : memref<!tpu.dma_semaphore, #tpu.memory_space<semaphore_mem>>)
    %dma_wait3A_85 = arith.constant 2 : i32
    %dma_wait3A_86 = arith.constant 0 : i32
    %dma_wait3A_87 = tpu.memref_slice %arg5[%dma_wait3A_85, %dma_wait3A_86] : memref<4x128xi32, #tpu.memory_space<vmem>> -> memref<1x128xi32, #tpu.memory_space<vmem>>
    %dma_wait3A_88 = tpu.memref_squeeze %dma_wait3A_87 : memref<1x128xi32, #tpu.memory_space<vmem>> -> memref<128xi32, #tpu.memory_space<vmem>>
    %dma_wait3A_89 = tpu.memref_slice %arg2[%add3A_27] : memref<16384xi32, #tpu.memory_space<hbm>> -> memref<128xi32, #tpu.memory_space<hbm>>
    %dma_wait3A_90 = arith.constant 0 : i32
    %dma_wait3A_91 = tpu.memref_slice %arg5[%dma_wait3A_85, %dma_wait3A_90] : memref<4x128xi32, #tpu.memory_space<vmem>> -> memref<1x128xi32, #tpu.memory_space<vmem>>
    %dma_wait3A_92 = tpu.memref_squeeze %dma_wait3A_91 : memref<1x128xi32, #tpu.memory_space<vmem>> -> memref<128xi32, #tpu.memory_space<vmem>>
    %dma_wait3A_93 = tpu.memref_slice %arg2[%add3A_27] : memref<16384xi32, #tpu.memory_space<hbm>> -> memref<128xi32, #tpu.memory_space<hbm>>
    tpu.wait_dma2 semaphore(%arg8 : memref<!tpu.dma_semaphore, #tpu.memory_space<semaphore_mem>>) src(%dma_wait3A_93 : memref<128xi32, #tpu.memory_space<hbm>>) dst(%dma_wait3A_92 : memref<128xi32, #tpu.memory_space<vmem>>)
    %dma_start3A_94 = arith.constant 2 : i32
    %dma_start3A_95 = arith.constant 256 : i32
    %dma_start3A_96 = arith.constant 0 : i32
    %dma_start3A_97 = tpu.memref_slice %arg6[%dma_start3A_95, %dma_start3A_96] : memref<512x64xf32, #tpu.memory_space<vmem>> -> memref<128x64xf32, #tpu.memory_space<vmem>>
    %dma_start3A_98 = arith.constant 0 : i32
    %dma_start3A_99 = tpu.memref_slice %arg5[%dma_start3A_94, %dma_start3A_98] : memref<4x128xi32, #tpu.memory_space<vmem>> -> memref<1x128xi32, #tpu.memory_space<vmem>>
    %dma_start3A_100 = tpu.memref_squeeze %dma_start3A_99 : memref<1x128xi32, #tpu.memory_space<vmem>> -> memref<128xi32, #tpu.memory_space<vmem>>
    %dma_start3A_101 = arith.constant 0 : i32
    %dma_start3A_102 = arith.constant 0 : i32
    %dma_start3A_103 = tpu.memref_slice %arg7[%dma_start3A_101, %dma_start3A_102] : memref<11x64xf32, #tpu.memory_space<vmem_shared>> -> memref<11x64xf32, #tpu.memory_space<vmem_shared>>
    tpu.enqueue_indirect_dma source(%dma_start3A_103 : memref<11x64xf32, #tpu.memory_space<vmem_shared>>) target(%dma_start3A_97 : memref<128x64xf32, #tpu.memory_space<vmem>>) offsets(%dma_start3A_100 : memref<128xi32, #tpu.memory_space<vmem>>) semaphore(%arg9 : memref<!tpu.dma_semaphore, #tpu.memory_space<semaphore_mem>>)
    %dma_wait3A_104 = arith.constant 3 : i32
    %dma_wait3A_105 = arith.constant 0 : i32
    %dma_wait3A_106 = tpu.memref_slice %arg5[%dma_wait3A_104, %dma_wait3A_105] : memref<4x128xi32, #tpu.memory_space<vmem>> -> memref<1x128xi32, #tpu.memory_space<vmem>>
    %dma_wait3A_107 = tpu.memref_squeeze %dma_wait3A_106 : memref<1x128xi32, #tpu.memory_space<vmem>> -> memref<128xi32, #tpu.memory_space<vmem>>
    %dma_wait3A_108 = tpu.memref_slice %arg2[%add3A_38] : memref<16384xi32, #tpu.memory_space<hbm>> -> memref<128xi32, #tpu.memory_space<hbm>>
    %dma_wait3A_109 = arith.constant 0 : i32
    %dma_wait3A_110 = tpu.memref_slice %arg5[%dma_wait3A_104, %dma_wait3A_109] : memref<4x128xi32, #tpu.memory_space<vmem>> -> memref<1x128xi32, #tpu.memory_space<vmem>>
    %dma_wait3A_111 = tpu.memref_squeeze %dma_wait3A_110 : memref<1x128xi32, #tpu.memory_space<vmem>> -> memref<128xi32, #tpu.memory_space<vmem>>
    %dma_wait3A_112 = tpu.memref_slice %arg2[%add3A_38] : memref<16384xi32, #tpu.memory_space<hbm>> -> memref<128xi32, #tpu.memory_space<hbm>>
    tpu.wait_dma2 semaphore(%arg8 : memref<!tpu.dma_semaphore, #tpu.memory_space<semaphore_mem>>) src(%dma_wait3A_112 : memref<128xi32, #tpu.memory_space<hbm>>) dst(%dma_wait3A_111 : memref<128xi32, #tpu.memory_space<vmem>>)
    %dma_start3A_113 = arith.constant 3 : i32
    %dma_start3A_114 = arith.constant 384 : i32
    %dma_start3A_115 = arith.constant 0 : i32
    %dma_start3A_116 = tpu.memref_slice %arg6[%dma_start3A_114, %dma_start3A_115] : memref<512x64xf32, #tpu.memory_space<vmem>> -> memref<128x64xf32, #tpu.memory_space<vmem>>
    %dma_start3A_117 = arith.constant 0 : i32
    %dma_start3A_118 = tpu.memref_slice %arg5[%dma_start3A_113, %dma_start3A_117] : memref<4x128xi32, #tpu.memory_space<vmem>> -> memref<1x128xi32, #tpu.memory_space<vmem>>
    %dma_start3A_119 = tpu.memref_squeeze %dma_start3A_118 : memref<1x128xi32, #tpu.memory_space<vmem>> -> memref<128xi32, #tpu.memory_space<vmem>>
    %dma_start3A_120 = arith.constant 0 : i32
    %dma_start3A_121 = arith.constant 0 : i32
    %dma_start3A_122 = tpu.memref_slice %arg7[%dma_start3A_120, %dma_start3A_121] : memref<11x64xf32, #tpu.memory_space<vmem_shared>> -> memref<11x64xf32, #tpu.memory_space<vmem_shared>>
    tpu.enqueue_indirect_dma source(%dma_start3A_122 : memref<11x64xf32, #tpu.memory_space<vmem_shared>>) target(%dma_start3A_116 : memref<128x64xf32, #tpu.memory_space<vmem>>) offsets(%dma_start3A_119 : memref<128xi32, #tpu.memory_space<vmem>>) semaphore(%arg9 : memref<!tpu.dma_semaphore, #tpu.memory_space<semaphore_mem>>)
    %dma_wait3A_123 = arith.constant 0 : i32
    %dma_wait3A_124 = arith.constant 0 : i32
    %dma_wait3A_125 = arith.constant 0 : i32
    %dma_wait3A_126 = tpu.memref_slice %arg6[%dma_wait3A_124, %dma_wait3A_125] : memref<512x64xf32, #tpu.memory_space<vmem>> -> memref<128x64xf32, #tpu.memory_space<vmem>>
    %dma_wait3A_127 = arith.constant 0 : i32
    %dma_wait3A_128 = tpu.memref_slice %arg5[%dma_wait3A_123, %dma_wait3A_127] : memref<4x128xi32, #tpu.memory_space<vmem>> -> memref<1x128xi32, #tpu.memory_space<vmem>>
    %dma_wait3A_129 = tpu.memref_squeeze %dma_wait3A_128 : memref<1x128xi32, #tpu.memory_space<vmem>> -> memref<128xi32, #tpu.memory_space<vmem>>
    %dma_wait3A_130 = arith.constant 0 : i32
    %dma_wait3A_131 = arith.constant 0 : i32
    %dma_wait3A_132 = tpu.memref_slice %arg7[%dma_wait3A_130, %dma_wait3A_131] : memref<11x64xf32, #tpu.memory_space<vmem_shared>> -> memref<11x64xf32, #tpu.memory_space<vmem_shared>>
    tpu.wait_indirect_dma semaphore(%arg9 : memref<!tpu.dma_semaphore, #tpu.memory_space<semaphore_mem>>) src(%dma_wait3A_132 : memref<11x64xf32, #tpu.memory_space<vmem_shared>>) dst(%dma_wait3A_126 : memref<128x64xf32, #tpu.memory_space<vmem>>)
    %add3A_133 = arith.constant 0 : i32
    %add3A_134 = arith.addi %mul3A_2, %add3A_133 : i32
    %dma_start3A_135 = arith.constant 0 : i32
    %dma_start3A_136 = arith.constant 0 : i32
    %dma_start3A_137 = tpu.memref_slice %arg6[%dma_start3A_135, %dma_start3A_136] : memref<512x64xf32, #tpu.memory_space<vmem>> -> memref<128x64xf32, #tpu.memory_space<vmem>>
    %dma_start3A_138 = arith.constant 0 : i32
    %dma_start3A_139 = tpu.memref_slice %arg4[%add3A_134, %dma_start3A_138] : memref<16384x64xf32, #tpu.memory_space<hbm>> -> memref<128x64xf32, #tpu.memory_space<hbm>>
    %dma_start3A_140 = arith.constant 0 : i32
    %dma_start3A_141 = tpu.memref_slice %arg4[%add3A_134, %dma_start3A_140] : memref<16384x64xf32, #tpu.memory_space<hbm>> -> memref<128x64xf32, #tpu.memory_space<hbm>>
    %dma_start3A_142 = arith.constant 0 : i32
    %dma_start3A_143 = arith.constant 0 : i32
    %dma_start3A_144 = tpu.memref_slice %arg6[%dma_start3A_142, %dma_start3A_143] : memref<512x64xf32, #tpu.memory_space<vmem>> -> memref<128x64xf32, #tpu.memory_space<vmem>>
    tpu.enqueue_dma source(%dma_start3A_144 : memref<128x64xf32, #tpu.memory_space<vmem>>) target(%dma_start3A_141 : memref<128x64xf32, #tpu.memory_space<hbm>>) target_semaphore(%arg10 : memref<!tpu.dma_semaphore, #tpu.memory_space<semaphore_mem>>)
    %dma_wait3A_145 = arith.constant 1 : i32
    %dma_wait3A_146 = arith.constant 128 : i32
    %dma_wait3A_147 = arith.constant 0 : i32
    %dma_wait3A_148 = tpu.memref_slice %arg6[%dma_wait3A_146, %dma_wait3A_147] : memref<512x64xf32, #tpu.memory_space<vmem>> -> memref<128x64xf32, #tpu.memory_space<vmem>>
    %dma_wait3A_149 = arith.constant 0 : i32
    %dma_wait3A_150 = tpu.memref_slice %arg5[%dma_wait3A_145, %dma_wait3A_149] : memref<4x128xi32, #tpu.memory_space<vmem>> -> memref<1x128xi32, #tpu.memory_space<vmem>>
    %dma_wait3A_151 = tpu.memref_squeeze %dma_wait3A_150 : memref<1x128xi32, #tpu.memory_space<vmem>> -> memref<128xi32, #tpu.memory_space<vmem>>
    %dma_wait3A_152 = arith.constant 0 : i32
    %dma_wait3A_153 = arith.constant 0 : i32
    %dma_wait3A_154 = tpu.memref_slice %arg7[%dma_wait3A_152, %dma_wait3A_153] : memref<11x64xf32, #tpu.memory_space<vmem_shared>> -> memref<11x64xf32, #tpu.memory_space<vmem_shared>>
    tpu.wait_indirect_dma semaphore(%arg9 : memref<!tpu.dma_semaphore, #tpu.memory_space<semaphore_mem>>) src(%dma_wait3A_154 : memref<11x64xf32, #tpu.memory_space<vmem_shared>>) dst(%dma_wait3A_148 : memref<128x64xf32, #tpu.memory_space<vmem>>)
    %add3A_155 = arith.constant 128 : i32
    %add3A_156 = arith.addi %mul3A_2, %add3A_155 : i32
    %dma_start3A_157 = arith.constant 128 : i32
    %dma_start3A_158 = arith.constant 0 : i32
    %dma_start3A_159 = tpu.memref_slice %arg6[%dma_start3A_157, %dma_start3A_158] : memref<512x64xf32, #tpu.memory_space<vmem>> -> memref<128x64xf32, #tpu.memory_space<vmem>>
    %dma_start3A_160 = arith.constant 0 : i32
    %dma_start3A_161 = tpu.memref_slice %arg4[%add3A_156, %dma_start3A_160] : memref<16384x64xf32, #tpu.memory_space<hbm>> -> memref<128x64xf32, #tpu.memory_space<hbm>>
    %dma_start3A_162 = arith.constant 0 : i32
    %dma_start3A_163 = tpu.memref_slice %arg4[%add3A_156, %dma_start3A_162] : memref<16384x64xf32, #tpu.memory_space<hbm>> -> memref<128x64xf32, #tpu.memory_space<hbm>>
    %dma_start3A_164 = arith.constant 128 : i32
    %dma_start3A_165 = arith.constant 0 : i32
    %dma_start3A_166 = tpu.memref_slice %arg6[%dma_start3A_164, %dma_start3A_165] : memref<512x64xf32, #tpu.memory_space<vmem>> -> memref<128x64xf32, #tpu.memory_space<vmem>>
    tpu.enqueue_dma source(%dma_start3A_166 : memref<128x64xf32, #tpu.memory_space<vmem>>) target(%dma_start3A_163 : memref<128x64xf32, #tpu.memory_space<hbm>>) target_semaphore(%arg10 : memref<!tpu.dma_semaphore, #tpu.memory_space<semaphore_mem>>)
    %dma_wait3A_167 = arith.constant 2 : i32
    %dma_wait3A_168 = arith.constant 256 : i32
    %dma_wait3A_169 = arith.constant 0 : i32
    %dma_wait3A_170 = tpu.memref_slice %arg6[%dma_wait3A_168, %dma_wait3A_169] : memref<512x64xf32, #tpu.memory_space<vmem>> -> memref<128x64xf32, #tpu.memory_space<vmem>>
    %dma_wait3A_171 = arith.constant 0 : i32
    %dma_wait3A_172 = tpu.memref_slice %arg5[%dma_wait3A_167, %dma_wait3A_171] : memref<4x128xi32, #tpu.memory_space<vmem>> -> memref<1x128xi32, #tpu.memory_space<vmem>>
    %dma_wait3A_173 = tpu.memref_squeeze %dma_wait3A_172 : memref<1x128xi32, #tpu.memory_space<vmem>> -> memref<128xi32, #tpu.memory_space<vmem>>
    %dma_wait3A_174 = arith.constant 0 : i32
    %dma_wait3A_175 = arith.constant 0 : i32
    %dma_wait3A_176 = tpu.memref_slice %arg7[%dma_wait3A_174, %dma_wait3A_175] : memref<11x64xf32, #tpu.memory_space<vmem_shared>> -> memref<11x64xf32, #tpu.memory_space<vmem_shared>>
    tpu.wait_indirect_dma semaphore(%arg9 : memref<!tpu.dma_semaphore, #tpu.memory_space<semaphore_mem>>) src(%dma_wait3A_176 : memref<11x64xf32, #tpu.memory_space<vmem_shared>>) dst(%dma_wait3A_170 : memref<128x64xf32, #tpu.memory_space<vmem>>)
    %add3A_177 = arith.constant 256 : i32
    %add3A_178 = arith.addi %mul3A_2, %add3A_177 : i32
    %dma_start3A_179 = arith.constant 256 : i32
    %dma_start3A_180 = arith.constant 0 : i32
    %dma_start3A_181 = tpu.memref_slice %arg6[%dma_start3A_179, %dma_start3A_180] : memref<512x64xf32, #tpu.memory_space<vmem>> -> memref<128x64xf32, #tpu.memory_space<vmem>>
    %dma_start3A_182 = arith.constant 0 : i32
    %dma_start3A_183 = tpu.memref_slice %arg4[%add3A_178, %dma_start3A_182] : memref<16384x64xf32, #tpu.memory_space<hbm>> -> memref<128x64xf32, #tpu.memory_space<hbm>>
    %dma_start3A_184 = arith.constant 0 : i32
    %dma_start3A_185 = tpu.memref_slice %arg4[%add3A_178, %dma_start3A_184] : memref<16384x64xf32, #tpu.memory_space<hbm>> -> memref<128x64xf32, #tpu.memory_space<hbm>>
    %dma_start3A_186 = arith.constant 256 : i32
    %dma_start3A_187 = arith.constant 0 : i32
    %dma_start3A_188 = tpu.memref_slice %arg6[%dma_start3A_186, %dma_start3A_187] : memref<512x64xf32, #tpu.memory_space<vmem>> -> memref<128x64xf32, #tpu.memory_space<vmem>>
    tpu.enqueue_dma source(%dma_start3A_188 : memref<128x64xf32, #tpu.memory_space<vmem>>) target(%dma_start3A_185 : memref<128x64xf32, #tpu.memory_space<hbm>>) target_semaphore(%arg10 : memref<!tpu.dma_semaphore, #tpu.memory_space<semaphore_mem>>)
    %dma_wait3A_189 = arith.constant 3 : i32
    %dma_wait3A_190 = arith.constant 384 : i32
    %dma_wait3A_191 = arith.constant 0 : i32
    %dma_wait3A_192 = tpu.memref_slice %arg6[%dma_wait3A_190, %dma_wait3A_191] : memref<512x64xf32, #tpu.memory_space<vmem>> -> memref<128x64xf32, #tpu.memory_space<vmem>>
    %dma_wait3A_193 = arith.constant 0 : i32
    %dma_wait3A_194 = tpu.memref_slice %arg5[%dma_wait3A_189, %dma_wait3A_193] : memref<4x128xi32, #tpu.memory_space<vmem>> -> memref<1x128xi32, #tpu.memory_space<vmem>>
    %dma_wait3A_195 = tpu.memref_squeeze %dma_wait3A_194 : memref<1x128xi32, #tpu.memory_space<vmem>> -> memref<128xi32, #tpu.memory_space<vmem>>
    %dma_wait3A_196 = arith.constant 0 : i32
    %dma_wait3A_197 = arith.constant 0 : i32
    %dma_wait3A_198 = tpu.memref_slice %arg7[%dma_wait3A_196, %dma_wait3A_197] : memref<11x64xf32, #tpu.memory_space<vmem_shared>> -> memref<11x64xf32, #tpu.memory_space<vmem_shared>>
    tpu.wait_indirect_dma semaphore(%arg9 : memref<!tpu.dma_semaphore, #tpu.memory_space<semaphore_mem>>) src(%dma_wait3A_198 : memref<11x64xf32, #tpu.memory_space<vmem_shared>>) dst(%dma_wait3A_192 : memref<128x64xf32, #tpu.memory_space<vmem>>)
    %add3A_199 = arith.constant 384 : i32
    %add3A_200 = arith.addi %mul3A_2, %add3A_199 : i32
    %dma_start3A_201 = arith.constant 384 : i32
    %dma_start3A_202 = arith.constant 0 : i32
    %dma_start3A_203 = tpu.memref_slice %arg6[%dma_start3A_201, %dma_start3A_202] : memref<512x64xf32, #tpu.memory_space<vmem>> -> memref<128x64xf32, #tpu.memory_space<vmem>>
    %dma_start3A_204 = arith.constant 0 : i32
    %dma_start3A_205 = tpu.memref_slice %arg4[%add3A_200, %dma_start3A_204] : memref<16384x64xf32, #tpu.memory_space<hbm>> -> memref<128x64xf32, #tpu.memory_space<hbm>>
    %dma_start3A_206 = arith.constant 0 : i32
    %dma_start3A_207 = tpu.memref_slice %arg4[%add3A_200, %dma_start3A_206] : memref<16384x64xf32, #tpu.memory_space<hbm>> -> memref<128x64xf32, #tpu.memory_space<hbm>>
    %dma_start3A_208 = arith.constant 384 : i32
    %dma_start3A_209 = arith.constant 0 : i32
    %dma_start3A_210 = tpu.memref_slice %arg6[%dma_start3A_208, %dma_start3A_209] : memref<512x64xf32, #tpu.memory_space<vmem>> -> memref<128x64xf32, #tpu.memory_space<vmem>>
    tpu.enqueue_dma source(%dma_start3A_210 : memref<128x64xf32, #tpu.memory_space<vmem>>) target(%dma_start3A_207 : memref<128x64xf32, #tpu.memory_space<hbm>>) target_semaphore(%arg10 : memref<!tpu.dma_semaphore, #tpu.memory_space<semaphore_mem>>)
    %dma_wait3A_211 = arith.constant 0 : i32
    %dma_wait3A_212 = arith.constant 0 : i32
    %dma_wait3A_213 = tpu.memref_slice %arg6[%dma_wait3A_211, %dma_wait3A_212] : memref<512x64xf32, #tpu.memory_space<vmem>> -> memref<128x64xf32, #tpu.memory_space<vmem>>
    %dma_wait3A_214 = arith.constant 0 : i32
    %dma_wait3A_215 = tpu.memref_slice %arg4[%add3A_134, %dma_wait3A_214] : memref<16384x64xf32, #tpu.memory_space<hbm>> -> memref<128x64xf32, #tpu.memory_space<hbm>>
    %dma_wait3A_216 = arith.constant 0 : i32
    %dma_wait3A_217 = tpu.memref_slice %arg4[%add3A_134, %dma_wait3A_216] : memref<16384x64xf32, #tpu.memory_space<hbm>> -> memref<128x64xf32, #tpu.memory_space<hbm>>
    %dma_wait3A_218 = arith.constant 0 : i32
    %dma_wait3A_219 = arith.constant 0 : i32
    %dma_wait3A_220 = tpu.memref_slice %arg6[%dma_wait3A_218, %dma_wait3A_219] : memref<512x64xf32, #tpu.memory_space<vmem>> -> memref<128x64xf32, #tpu.memory_space<vmem>>
    tpu.wait_dma2 semaphore(%arg10 : memref<!tpu.dma_semaphore, #tpu.memory_space<semaphore_mem>>) src(%dma_wait3A_220 : memref<128x64xf32, #tpu.memory_space<vmem>>) dst(%dma_wait3A_217 : memref<128x64xf32, #tpu.memory_space<hbm>>)
    %dma_wait3A_221 = arith.constant 128 : i32
    %dma_wait3A_222 = arith.constant 0 : i32
    %dma_wait3A_223 = tpu.memref_slice %arg6[%dma_wait3A_221, %dma_wait3A_222] : memref<512x64xf32, #tpu.memory_space<vmem>> -> memref<128x64xf32, #tpu.memory_space<vmem>>
    %dma_wait3A_224 = arith.constant 0 : i32
    %dma_wait3A_225 = tpu.memref_slice %arg4[%add3A_156, %dma_wait3A_224] : memref<16384x64xf32, #tpu.memory_space<hbm>> -> memref<128x64xf32, #tpu.memory_space<hbm>>
    %dma_wait3A_226 = arith.constant 0 : i32
    %dma_wait3A_227 = tpu.memref_slice %arg4[%add3A_156, %dma_wait3A_226] : memref<16384x64xf32, #tpu.memory_space<hbm>> -> memref<128x64xf32, #tpu.memory_space<hbm>>
    %dma_wait3A_228 = arith.constant 128 : i32
    %dma_wait3A_229 = arith.constant 0 : i32
    %dma_wait3A_230 = tpu.memref_slice %arg6[%dma_wait3A_228, %dma_wait3A_229] : memref<512x64xf32, #tpu.memory_space<vmem>> -> memref<128x64xf32, #tpu.memory_space<vmem>>
    tpu.wait_dma2 semaphore(%arg10 : memref<!tpu.dma_semaphore, #tpu.memory_space<semaphore_mem>>) src(%dma_wait3A_230 : memref<128x64xf32, #tpu.memory_space<vmem>>) dst(%dma_wait3A_227 : memref<128x64xf32, #tpu.memory_space<hbm>>)
    %dma_wait3A_231 = arith.constant 256 : i32
    %dma_wait3A_232 = arith.constant 0 : i32
    %dma_wait3A_233 = tpu.memref_slice %arg6[%dma_wait3A_231, %dma_wait3A_232] : memref<512x64xf32, #tpu.memory_space<vmem>> -> memref<128x64xf32, #tpu.memory_space<vmem>>
    %dma_wait3A_234 = arith.constant 0 : i32
    %dma_wait3A_235 = tpu.memref_slice %arg4[%add3A_178, %dma_wait3A_234] : memref<16384x64xf32, #tpu.memory_space<hbm>> -> memref<128x64xf32, #tpu.memory_space<hbm>>
    %dma_wait3A_236 = arith.constant 0 : i32
    %dma_wait3A_237 = tpu.memref_slice %arg4[%add3A_178, %dma_wait3A_236] : memref<16384x64xf32, #tpu.memory_space<hbm>> -> memref<128x64xf32, #tpu.memory_space<hbm>>
    %dma_wait3A_238 = arith.constant 256 : i32
    %dma_wait3A_239 = arith.constant 0 : i32
    %dma_wait3A_240 = tpu.memref_slice %arg6[%dma_wait3A_238, %dma_wait3A_239] : memref<512x64xf32, #tpu.memory_space<vmem>> -> memref<128x64xf32, #tpu.memory_space<vmem>>
    tpu.wait_dma2 semaphore(%arg10 : memref<!tpu.dma_semaphore, #tpu.memory_space<semaphore_mem>>) src(%dma_wait3A_240 : memref<128x64xf32, #tpu.memory_space<vmem>>) dst(%dma_wait3A_237 : memref<128x64xf32, #tpu.memory_space<hbm>>)
    %dma_wait3A_241 = arith.constant 384 : i32
    %dma_wait3A_242 = arith.constant 0 : i32
    %dma_wait3A_243 = tpu.memref_slice %arg6[%dma_wait3A_241, %dma_wait3A_242] : memref<512x64xf32, #tpu.memory_space<vmem>> -> memref<128x64xf32, #tpu.memory_space<vmem>>
    %dma_wait3A_244 = arith.constant 0 : i32
    %dma_wait3A_245 = tpu.memref_slice %arg4[%add3A_200, %dma_wait3A_244] : memref<16384x64xf32, #tpu.memory_space<hbm>> -> memref<128x64xf32, #tpu.memory_space<hbm>>
    %dma_wait3A_246 = arith.constant 0 : i32
    %dma_wait3A_247 = tpu.memref_slice %arg4[%add3A_200, %dma_wait3A_246] : memref<16384x64xf32, #tpu.memory_space<hbm>> -> memref<128x64xf32, #tpu.memory_space<hbm>>
    %dma_wait3A_248 = arith.constant 384 : i32
    %dma_wait3A_249 = arith.constant 0 : i32
    %dma_wait3A_250 = tpu.memref_slice %arg6[%dma_wait3A_248, %dma_wait3A_249] : memref<512x64xf32, #tpu.memory_space<vmem>> -> memref<128x64xf32, #tpu.memory_space<vmem>>
    tpu.wait_dma2 semaphore(%arg10 : memref<!tpu.dma_semaphore, #tpu.memory_space<semaphore_mem>>) src(%dma_wait3A_250 : memref<128x64xf32, #tpu.memory_space<vmem>>) dst(%dma_wait3A_247 : memref<128x64xf32, #tpu.memory_space<hbm>>)
    return
  }
}

</mosaic_0001>

<sc_bundles>
// kernel: kernel.3.cloned.1.call-start
scs
__scs_entry_jumppad:
0x0: {  	(pc) =	sbr.rel $0x88, $3  }
0x1: {  	(tag) =	ssettag $0x0;
	lr =	simm.s32 $0x1  }
0x2: {  	[smem:$0x3F9F] =	sst lr;
	_ =	strace $0xD0000000  }
0x3: {  	_ = 	snop  }
0x4: {  	_ = 	snop  }
0x5: {  	_ = 	snop  }
0x6: {  	_ = 	snop  }
0x7: {  	_ = 	snop  }
__scs_overlays_trampoline_lowered:
0x8: {  	[smem:$0x3FAE] =	sst s0  }
0x9: {  	[smem:$0x3FAF] =	sst s1  }
0xa: {  	[smem:$0x3FB0] =	sst s2  }
0xb: {  	[smem:$0x3FB1] =	sst s3  }
0xc: {  	[smem:$0x3FB2] =	sst s4  }
0xd: {  	[smem:$0x3FB3] =	sst s5  }
0xe: {  	[smem:$0x3FB4] =	sst s6  }
0xf: {  	[smem:$0x3FB5] =	sst s7  }
0x10: {  	[smem:$0x3FB6] =	sst s8  }
0x11: {  	[smem:$0x3FB7] =	sst s9;
	s0 =	simm.s32 @!p0 $0x0  }
0x12: {  	s1 =	sld [smem:$0x3F9D];
	s0 =	simm.s32 @p0 $0x1  }
0x13: {  	[smem:$0x3FB8] =	sst s0;
	s0 =	simm.s32 @!p1 $0x0  }
0x14: {  	s2 =	sld [smem:$0x3F9C];
	s0 =	simm.s32 @p1 $0x1  }
0x15: {  	[smem:$0x3FB9] =	sst s0;
	s0 =	simm.s32 @!p2 $0x0  }
0x16: {  	s3 =	sld [smem:$0x3FDB];
	s0 =	simm.s32 @p2 $0x1  }
0x17: {  	s4 =	simm.s32 $0x1BF5;
	[smem:$0x3FBB] =	sst s0  }
0x18: {  	s0 =	sld [smem:$0x3F9E];
	_ =	swait.ge [sflag:s4], $0x0  }
0x19: {  	s7 =	sld [smem:$0x3F9F]  }
0x1a: {  	s8 =	sadd.s32 $0xFFFFE003, lr  }
0x1b: {  	s9 =	sadd.s32 $0xFFFFFEF7, lr;
	s5 =	simm.s32 $0xFFFFFFFF;
	p2 =	slt.u32 s8, $0xFFFFF086  }
0x1c: {  	p1 =	slt.u32 s9, $0xF7A;
	s5 =	simm.s32 @!p2 $0x0  }
0x1d: {  	s5 =	simm.s32 @p1 $0x1;
	p0 =	seq.s32 s7, s2  }
0x1e: {  	s7 =	smul.u32 @!p0 $0xF7A, s2;
	p2 =	seq.s32 @!p0 s5, $0x0  }
0x1f: {  	s9 =	smul.u32 $0xF7A, s1;
	s8 =	simm.s32 @!p0 $0x1BF5;
	p2 =	por !p2, p0  }
0x20: {  	[sflag:s8] =	ssyncset.s32 @!p0 $0xFFFFF086;
	s6 =	sadd.s32 @!p0 s3, s7;
	s7 =	simm.s32 @!p0 $0x108  }
0x21: {  	s3 =	sadd.s32 s3, s9;
	s6 =	sadd.s32 @!p0 $0x88, s6;
	s7 =	simm.s32 @p2 $0x1082  }
0x22: {  	[simem:s7], [sflag:s8] =	dma.local @!p0 [hbm:s6], $0xF7A  }
0x23: {  	s9 =	sor.u32 $0xD0000000, s2;
	s6 =	simm.s32 $0x108;
	_ =	swait.ge @!p0 [sflag:s8], $0x0  }
0x24: {  	s3 =	sadd.s32 $0x88, s3;
	s6 =	simm.s32 @!p1 $0x1082;
	[sflag:s4] =	ssyncset.s32 $0xFFFFF086  }
0x25: {  	[simem:s6], [sflag:s4] =	dma.local [hbm:s3], $0xF7A  }
0x26: {  	[smem:$0x3F9F] =	sst s1;
	(tag) =	ssettag s2;
	_ =	strace s9  }
0x27: {  	s1 =	sld [smem:$0x3FAF]  }
0x28: {  	s2 =	sld [smem:$0x3FB0]  }
0x29: {  	s4 =	sld [smem:$0x3FB2]  }
0x2a: {  	p0 =	seq.s32 s5, $0x0;
	s5 =	sld [smem:$0x3FB3]  }
0x2b: {  	s6 =	sld [smem:$0x3FB4]  }
0x2c: {  	s7 =	sld [smem:$0x3FB5]  }
0x2d: {  	s3 =	simm.s32 $0x108;
	s8 =	sld [smem:$0x3FB6]  }
0x2e: {  	s3 =	simm.s32 @!p0 $0x1082;
	s9 =	sld [smem:$0x3FB7]  }
0x2f: {  	lr =	sadd.s32 s0, s3;
	s0 =	sld [smem:$0x3FAE]  }
0x30: {  	s3 =	sld [smem:$0x3FB1]  }
0x31: {  	[smem:$0x3FBA] =	sst s10  }
0x32: {  	s10 =	sld [smem:$0x3FB8];
	_ =	sdelay $0x3  }
0x33: {  	p0 =	seq.s32 s10, $0x1;
	s10 =	sld [smem:$0x3FBA];
	_ =	sdelay $0x3  }
0x34: {  	[smem:$0x3FBA] =	sst s10  }
0x35: {  	s10 =	sld [smem:$0x3FB9];
	_ =	sdelay $0x3  }
0x36: {  	p1 =	seq.s32 s10, $0x1;
	s10 =	sld [smem:$0x3FBA];
	_ =	sdelay $0x3  }
0x37: {  	[smem:$0x3FBA] =	sst s10  }
0x38: {  	s10 =	sld [smem:$0x3FBB]  }
0x39: {  	_ = 	snop;
	(pc) =	sbr.ind lr, $3  }
0x3a: {  	_ = 	snop  }
0x3b: {  	_ = 	snop  }
0x3c: {  	p2 =	seq.s32 s10, $0x1;
	s10 =	sld [smem:$0x3FBA]  }
0x3d: {  	_ =	shalt  }
0x3e: {  	_ =	shalt  }
0x3f: {  	_ =	shalt  }
0x40: {  	_ =	shalt  }
0x41: {  	_ =	shalt  }
0x42: {  	_ =	shalt  }
0x43: {  	_ =	shalt  }
0x44: {  	_ =	shalt  }
0x45: {  	_ =	shalt  }
0x46: {  	_ =	shalt  }
0x47: {  	_ =	shalt  }
0x48: {  	_ =	shalt  }
0x49: {  	_ =	shalt  }
0x4a: {  	_ =	shalt  }
0x4b: {  	_ =	shalt  }
0x4c: {  	_ =	shalt  }
0x4d: {  	_ =	shalt  }
0x4e: {  	_ =	shalt  }
0x4f: {  	_ =	shalt  }
0x50: {  	_ =	shalt  }
0x51: {  	_ =	shalt  }
0x52: {  	_ =	shalt  }
0x53: {  	_ =	shalt  }
0x54: {  	_ =	shalt  }
0x55: {  	_ =	shalt  }
0x56: {  	_ =	shalt  }
0x57: {  	_ =	shalt  }
0x58: {  	_ =	shalt  }
0x59: {  	_ =	shalt  }
0x5a: {  	_ =	shalt  }
0x5b: {  	_ =	shalt  }
0x5c: {  	_ =	shalt  }
0x5d: {  	_ =	shalt  }
0x5e: {  	_ =	shalt  }
0x5f: {  	_ =	shalt  }
0x60: {  	_ =	shalt  }
0x61: {  	_ =	shalt  }
0x62: {  	_ =	shalt  }
0x63: {  	_ =	shalt  }
0x64: {  	_ =	shalt  }
0x65: {  	_ =	shalt  }
0x66: {  	_ =	shalt  }
0x67: {  	_ =	shalt  }
0x68: {  	_ =	shalt  }
0x69: {  	_ =	shalt  }
0x6a: {  	_ =	shalt  }
0x6b: {  	_ =	shalt  }
0x6c: {  	_ =	shalt  }
0x6d: {  	_ =	shalt  }
0x6e: {  	_ =	shalt  }
0x6f: {  	_ =	shalt  }
0x70: {  	_ =	shalt  }
0x71: {  	_ =	shalt  }
0x72: {  	_ =	shalt  }
0x73: {  	_ =	shalt  }
0x74: {  	_ =	shalt  }
0x75: {  	_ =	shalt  }
0x76: {  	_ =	shalt  }
0x77: {  	_ =	shalt  }
0x78: {  	_ =	shalt  }
0x79: {  	_ =	shalt  }
0x7a: {  	_ =	shalt  }
0x7b: {  	_ =	shalt  }
0x7c: {  	_ =	shalt  }
0x7d: {  	_ =	shalt  }
0x7e: {  	_ =	shalt  }
0x7f: {  	_ =	shalt  }
0x80: {  	_ =	shalt  }
0x81: {  	_ =	shalt  }
0x82: {  	_ =	shalt  }
0x83: {  	_ =	shalt  }
0x84: {  	_ =	shalt  }
0x85: {  	_ =	shalt  }
0x86: {  	_ =	shalt  }
0x87: {  	_ =	shalt  }
.Lfunc_end0:
.L_simem_size_0:
called_computation_lowered:
.L_overlay_start_0:
0x88: {  	s2 =	sld [smem:$0x3FD9]  }
0x89: {  	s3 =	sld [smem:$0x3FFE];
	_ =	sdelay $0x1  }
0x8a: {  	s1 =	srdreg.scid  }
0x8b: {  	s0 =	sand.u32 $0x1, s1  }
0x8c: {  	s17 =	sshll.u32 s0, $0xA;
	s2 =	sadd.s32 s3, s2  }
0x8d: {  	s2 =	sadd.s32 s2, s17  }
0x8e: {  	[smem:$0x3FC6] =	sst s2  }
0x8f: {  	_ = 	snop  }
0x90: {  	s2 =	sld [smem:$0x3FC9]  }
0x91: {  	s18 =	sld [smem:$0x3FD0];
	(tm) =	ssettm $0x1  }
0x92: {  	s4 =	sld [smem:$0x3FFB];
	_ =	sdelay $0x3  }
0x93: {  	_ =	strace s4  }
0x94: {  	s4 =	sld [smem:$0x3FFC];
	_ =	sdelay $0x3  }
0x95: {  	_ =	strace s4  }
0x96: {  	s4 =	sld [smem:$0x3FFD];
	_ =	sdelay $0x3  }
0x97: {  	_ =	strace s4  }
0x98: {  	_ =	strace $0x8FFFFFFF  }
0x99: {  	s19 =	sld [smem:$0x3FDB];
	_ =	sdelay $0x1  }
0x9a: {  	s5 =	simm.s32 $_scs_section_size  }
0x9b: {  	s6 =	simm.s32 $_size__tile_overlayer_lowered;
	s7 =	simm.s32 $_tile_overlayer_lowered  }
0x9c: {  	s22 =	simm.s32 $0x1BFF;
	s21 =	sshll.u32 s7, $0x1;
	s4 =	sadd.s32 s5, s19  }
0x9d: {  	s8 =	simm.s32 $0x0;
	s20 =	sshll.u32 s6, $0x1;
	s6 =	sadd.s32 s21, s4  }
0x9e: {  	[timem:s8], [sflag:s22] =	dma.local [hbm:s6], s20  }
0x9f: {  	_ =	swait.ge [sflag:s22], s20  }
0xa0: {  	s5 =	ssub.s32 $0x0, s20;
	[sflag:s22] =	ssyncset.done $0x0  }
0xa1: {  	[sflag:s22] =	ssyncadd.s32 s5;
	_ =	sdelay $0x1  }
0xa2: {  	s23 =	simm.s32 $0x1B8B  }
0xa3: {  	_ =	swait.ge [sflag:s23], $0x1  }
0xa4: {  	[sflag:s23] =	ssyncset.done $0x0  }
0xa5: {  	s25 =	simm.s32 $0x1B8E;
	s24 =	sld [smem:$0x3FFE];
	[sflag:s23] =	ssyncadd.s32 $0xFFFFFFFF  }
0xa6: {  	s26 =	simm.s32 $execute0_lowered;
	[smem:$0x3FD2] =	sst s25  }
0xa7: {  	s6 =	sshll.u32 s26, $0x1;
	_ =	strace $0x80000046;
	[dreg:$0x1] =	wrdreg $0xFFFFFFFF  }
0xa8: {  	s28 =	simm.s32 $_size_execute0_lowered;
	s4 =	sadd.s32 s4, s6;
	[dreg:$0x0] =	wrdreg $0x0  }
0xa9: {  	s6 =	sshll.u32 s28, $0x1;
	[dreg:$0x2] =	wrdreg s4  }
0xaa: {  	[dreg:$0x3] =	wrdreg s6  }
0xab: {  	[dreg:$0x4] =	wrdreg $0xC0  }
0xac: {  	_ =	task [dreg:s8], $0x5FFFF  }
0xad: {  	[dreg:$0x1] =	wrdreg $0xFFFFFFFF  }
0xae: {  	[dreg:$0x0] =	wrdreg $0x60  }
0xaf: {  	[dreg:$0x2] =	wrdreg s2  }
0xb0: {  	[dreg:$0x3] =	wrdreg s24  }
0xb1: {  	[dreg:$0x4] =	wrdreg s18  }
0xb2: {  	[dreg:$0x5] =	wrdreg $0x82000  }
0xb3: {  	[dreg:$0x6] =	wrdreg $0x9  }
0xb4: {  	_ =	task.clear_ibuf [dreg:s8], $0x7FFFF;
	_ =	strace $0x90000046  }
0xb5: {  	s29 =	simm.s32 $0x9;
	_ =	strace $0x80000048  }
0xb6: {  	_ =	swait.ge [sflag:s29], $0x1  }
0xb7: {  	[sflag:s29] =	ssyncadd.s32 $0xFFFFFFFF  }
0xb8: {  	_ =	strace $0x90000048  }
0xb9: {  	_ =	sfence  }
0xba: {  	s30 =	sld [smem:$0x0];
	_ =	sdelay $0x2  }
0xbb: {  	s31 =	sshll.u32 s1, $0xD;
	s1 =	sshrl.u32 s1, $0x2  }
0xbc: {  	s3 =	sand.u32 $0x4000, s31;
	s1 =	sadd.s32 s1, s30  }
0xbd: {  	s0 =	sor.u32 s3, s0;
	s1 =	sshll.u32 s1, $0x11  }
0xbe: {  	s0 =	sor.u32 s1, s0  }
0xbf: {  	s0 =	sadd.s32 $0x8F2B, s0  }
0xc0: {  	[sflag:s0] =	ssyncadd.remote.s32 $0x1  }
0xc1: {  	_ =	sfence.sel $0xFFFF  }
0xc2: {  	[dreg:$0x0] =	wrdreg $0xFFFFFFFF;
	(pc) =	sbr.abs _section_cstart, $3  }
0xc3: {  	[dreg:$0x1] =	wrdreg $0xFFFFFFFF  }
0xc4: {  	_ =	task.clear_ibuf [dreg:s8], $0x2FFFF;
	_ =	strace $0x9FFFFFFF  }
0xc5: {  	(tm) =	ssettm $0x7FFFFFFF  }
tec
execute0_lowered:
.L_overlay_start_1:
0x0: {  	(tag) =	ssettag $0x1  }
0x1: {  	s3 =	rddreg [dreg:$0x0]  }
0x2: {  	s4 =	rddreg [dreg:$0x1]  }
0x3: {  	s5 =	rddreg [dreg:$0x2]  }
0x4: {  	s2 =	rddreg [dreg:$0x3]  }
0x5: {  	s0 =	rddreg [dreg:$0x4];
	s1 =	simm.s32 $0x0  }
0x6: {  	s6 =	srdreg.scid;
	s8 =	stileid.u32;
	s20 =	simm.s32 $0x100  }
0x7: {  	s17 =	simm.s32 $0x180;
	s19 =	simm.s32 $0x1;
	s15 =	simm.s32 $0x200  }
0x8: {  	p1 =	por $0x0, $0x0;
	[smem:$0x7FF] =	sst s1;
	s6 =	sand.u32 $0x1, s6  }
0x9: {  	s9 =	sshll.u32 s8, $0xA;
	s12 =	sadd.s32 $0x400, s4;
	p0 =	sne.s32 s8, $0x0  }
0xa: {  	s8 =	simm.s32 $0x6200;
	s7 =	ssub.s32 $0x2, s6;
	s6 =	sshll.u32 s6, $0x9  }
0xb: {  	_ =	strace $0x80000047;
	s21 =	sshrl.u32 s7, $0x1;
	s6 =	sor.u32 s6, s9  }
0xc: {  	s9 =	simm.s32 $0x4200;
	s22 =	ssub.s32 s7, s21;
	s23 =	sshrl.u32 s6, $0x3  }
0xd: {  	s10 =	sor.u32 $0x80, s6;
	s11 =	sor.u32 $0x100, s6;
	s14 =	sor.u32 $0x180, s6  }
0xe: {  	s6 =	sshll.u32 s6, $0x3;
	s25 =	sshrl.u32 s11, $0x3;
	s31 =	smax.u32 s22, $0x1  }
0xf: {  	s13 =	sadd.s32 s3, s23;
	s18 =	sadd.s32 s3, s25;
	s25 =	sadd.s32 $0xFFFFFFFF, s31  }
0x10: {  	s24 =	sshrl.u32 s10, $0x3;
	s26 =	sshrl.u32 s14, $0x3;
	p2 =	sne.s32 s25, $0x0  }
.Ltmp0:
0x11: {  	s7 =	sadd.s32 s5, s6;
	s28 =	sshll.u32 s10, $0x3;
	(pc) =	sbr.rel @!p2 .LBB2_3-.Ltmp0, $4  }
0x12: {  	s29 =	sshll.u32 s11, $0x3;
	s30 =	sshll.u32 s14, $0x3;
	s22 =	sshrl.u32 @!p0 s2, $0x3  }
0x13: {  	s14 =	simm.s32 $0x80;
	s11 =	simm.s32 $0x2200;
	s10 =	simm.s32 $0x2  }
0x14: {  	s16 =	sadd.s32 s3, s24;
	s21 =	sadd.s32 s3, s26;
	s6 =	sadd.s32 s5, s28  }
0x15: {  	s4 =	sadd.s32 s5, s29;
	s3 =	sadd.s32 s5, s30;
	s5 =	simm.s32 $0x3  }
0x16: {  	s23 =	simm.s32 @!p0 $0x1C04;
	s24 =	simm.s32 @!p0 $0x4  }
0x17: {  	[spmem:s22], [sflag:s23] =	dma.local @!p0 [hbm:s12], $0x58  }
0x18: {  	_ =	swait.ge @!p0 [sflag:s24], $0x58  }
0x19: {  	[sflag:s24] =	ssyncset.done @!p0 $0x0  }
0x1a: {  	[sflag:s24] =	ssyncadd.s32 @!p0 $0xFFFFFFA8  }
0x1b: {  	[tilespmem:s1], [sflag:$0x1] =	stream.linear.gather [hbm4b:s13+s1], $0x80, $0x38;
	[tilespmem:$0x8230] =	vst v63  }
0x1c: {  	_ = 	snop  }
0x1d: {  	[tilespmem:s14], [sflag:$0x1] =	stream.linear.gather [hbm4b:s16+s1], $0x80, $0x38;
	[tilespmem:$0x8230] =	vst v63  }
0x1e: {  	_ = 	snop  }
0x1f: {  	[tilespmem:s20], [sflag:$0x1] =	stream.linear.gather [hbm4b:s18+s1], $0x80, $0x38;
	[tilespmem:$0x8230] =	vst v63  }
0x20: {  	_ = 	snop  }
0x21: {  	[tilespmem:s17], [sflag:$0x1] =	stream.linear.gather [hbm4b:s21+s1], $0x80, $0x38;
	[tilespmem:$0x8230] =	vst v63  }
0x22: {  	[bflag:$0x0] =	sbarrier.arrive $0xFFFF  }
0x23: {  	_ =	swait.ge [sflag:s19], $0x80  }
0x24: {  	[sflag:s19] =	ssyncset.done $0x0  }
0x25: {  	[sflag:s19] =	ssyncadd.s32 $0xFFFFFF80  }
0x26: {  	[tilespmem:s15], [sflag:$0x2] =	stream.indirect.gather [spmem:s2], $0x40, s1, s14, $0xb8;
	[tilespmem:$0x8230] =	vst v63  }
0x27: {  	_ =	swait.ge [sflag:s19], $0x80  }
0x28: {  	[sflag:s19] =	ssyncset.done $0x0  }
0x29: {  	[sflag:s19] =	ssyncadd.s32 $0xFFFFFF80  }
0x2a: {  	[tilespmem:s11], [sflag:$0x2] =	stream.indirect.gather [spmem:s2], $0x40, s14, s14, $0xb8;
	[tilespmem:$0x8230] =	vst v63  }
0x2b: {  	_ =	swait.ge [sflag:s19], $0x80  }
0x2c: {  	[sflag:s19] =	ssyncset.done $0x0  }
0x2d: {  	[sflag:s19] =	ssyncadd.s32 $0xFFFFFF80  }
0x2e: {  	[tilespmem:s9], [sflag:$0x2] =	stream.indirect.gather [spmem:s2], $0x40, s20, s14, $0xb8;
	[tilespmem:$0x8230] =	vst v63  }
0x2f: {  	_ =	swait.ge [sflag:s19], $0x80  }
0x30: {  	[sflag:s19] =	ssyncset.done $0x0  }
0x31: {  	[sflag:s19] =	ssyncadd.s32 $0xFFFFFF80  }
0x32: {  	[tilespmem:s8], [sflag:$0x2] =	stream.indirect.gather [spmem:s2], $0x40, s17, s14, $0xb8;
	[tilespmem:$0x8230] =	vst v63  }
0x33: {  	_ =	swait.ge [sflag:s10], $0x2000  }
0x34: {  	[sflag:s10] =	ssyncset.done $0x0  }
0x35: {  	[sflag:s10] =	ssyncadd.s32 $0xFFFFE000  }
0x36: {  	[hbm4b:s7+s1] =	stream.linear.scatter [tilespmem:s15], [sflag:$0x3], $0x2000, $0x38;
	[tilespmem:$0x8230] =	vst v63  }
0x37: {  	_ =	swait.ge [sflag:s10], $0x2000  }
0x38: {  	[sflag:s10] =	ssyncset.done $0x0  }
0x39: {  	[sflag:s10] =	ssyncadd.s32 $0xFFFFE000  }
0x3a: {  	[hbm4b:s6+s1] =	stream.linear.scatter [tilespmem:s11], [sflag:$0x3], $0x2000, $0x38;
	[tilespmem:$0x8230] =	vst v63  }
0x3b: {  	_ =	swait.ge [sflag:s10], $0x2000  }
0x3c: {  	[sflag:s10] =	ssyncset.done $0x0  }
0x3d: {  	[sflag:s10] =	ssyncadd.s32 $0xFFFFE000  }
0x3e: {  	[hbm4b:s4+s1] =	stream.linear.scatter [tilespmem:s9], [sflag:$0x3], $0x2000, $0x38;
	[tilespmem:$0x8230] =	vst v63  }
0x3f: {  	_ =	swait.ge [sflag:s10], $0x2000  }
0x40: {  	[sflag:s10] =	ssyncset.done $0x0  }
0x41: {  	[sflag:s10] =	ssyncadd.s32 $0xFFFFE000  }
0x42: {  	[hbm4b:s3+s1] =	stream.linear.scatter [tilespmem:s8], [sflag:$0x3], $0x2000, $0x38;
	[tilespmem:$0x8230] =	vst v63  }
0x43: {  	_ =	swait.ge [sflag:s5], $0x2000  }
0x44: {  	[sflag:s5] =	ssyncset.done $0x0  }
0x45: {  	[sflag:s5] =	ssyncadd.s32 $0xFFFFE000  }
0x46: {  	_ =	swait.ge [sflag:s5], $0x2000  }
0x47: {  	s25 =	sadd.s32 $0xFFFFFFFF, s25;
	[sflag:s5] =	ssyncset.done $0x0  }
0x48: {  	p2 =	sne.s32 s25, $0x0;
	[sflag:s5] =	ssyncadd.s32 $0xFFFFE000  }
.Ltmp1:
0x49: {  	_ =	swait.ge [sflag:s5], $0x2000;
	(pc) =	sbr.rel @!p2 .LBB2_3-.Ltmp1, $4  }
0x4a: {  	[sflag:s5] =	ssyncset.done $0x0  }
0x4b: {  	[sflag:s5] =	ssyncadd.s32 $0xFFFFE000  }
0x4c: {  	_ =	swait.ge [sflag:s5], $0x2000  }
0x4d: {  	p1 =	por $0x1, $0x1;
	[sflag:s5] =	ssyncset.done $0x0  }
.LBB2_2:
0x4e: {  	[sflag:s5] =	ssyncadd.s32 $0xFFFFE000  }
0x4f: {  	[spmem:s22], [sflag:s23] =	dma.local @!p0 [hbm:s12], $0x58  }
0x50: {  	s25 =	sadd.s32 $0xFFFFFFFF, s25;
	_ =	swait.ge @!p0 [sflag:s24], $0x58  }
0x51: {  	p2 =	sne.s32 s25, $0x0;
	[sflag:s24] =	ssyncset.done @!p0 $0x0  }
0x52: {  	[sflag:s24] =	ssyncadd.s32 @!p0 $0xFFFFFFA8  }
0x53: {  	[tilespmem:s1], [sflag:$0x1] =	stream.linear.gather [hbm4b:s13+s1], $0x80, $0x38;
	[tilespmem:$0x8230] =	vst v63  }
0x54: {  	_ = 	snop  }
0x55: {  	[tilespmem:s14], [sflag:$0x1] =	stream.linear.gather [hbm4b:s16+s1], $0x80, $0x38;
	[tilespmem:$0x8230] =	vst v63  }
0x56: {  	_ = 	snop  }
0x57: {  	[tilespmem:s20], [sflag:$0x1] =	stream.linear.gather [hbm4b:s18+s1], $0x80, $0x38;
	[tilespmem:$0x8230] =	vst v63  }
0x58: {  	_ = 	snop  }
0x59: {  	[tilespmem:s17], [sflag:$0x1] =	stream.linear.gather [hbm4b:s21+s1], $0x80, $0x38;
	[tilespmem:$0x8230] =	vst v63  }
0x5a: {  	[bflag:$0x0] =	sbarrier.arrive $0xFFFF  }
0x5b: {  	_ =	swait.ge [sflag:s19], $0x80  }
0x5c: {  	[sflag:s19] =	ssyncset.done $0x0  }
0x5d: {  	[sflag:s19] =	ssyncadd.s32 $0xFFFFFF80  }
0x5e: {  	[tilespmem:s15], [sflag:$0x2] =	stream.indirect.gather [spmem:s2], $0x40, s1, s14, $0xb8;
	[tilespmem:$0x8230] =	vst v63  }
0x5f: {  	_ =	swait.ge [sflag:s19], $0x80  }
0x60: {  	[sflag:s19] =	ssyncset.done $0x0  }
0x61: {  	[sflag:s19] =	ssyncadd.s32 $0xFFFFFF80  }
0x62: {  	[tilespmem:s11], [sflag:$0x2] =	stream.indirect.gather [spmem:s2], $0x40, s14, s14, $0xb8;
	[tilespmem:$0x8230] =	vst v63  }
0x63: {  	_ =	swait.ge [sflag:s19], $0x80  }
0x64: {  	[sflag:s19] =	ssyncset.done $0x0  }
0x65: {  	[sflag:s19] =	ssyncadd.s32 $0xFFFFFF80  }
0x66: {  	[tilespmem:s9], [sflag:$0x2] =	stream.indirect.gather [spmem:s2], $0x40, s20, s14, $0xb8;
	[tilespmem:$0x8230] =	vst v63  }
0x67: {  	_ =	swait.ge [sflag:s19], $0x80  }
0x68: {  	[sflag:s19] =	ssyncset.done $0x0  }
0x69: {  	[sflag:s19] =	ssyncadd.s32 $0xFFFFFF80  }
0x6a: {  	[tilespmem:s8], [sflag:$0x2] =	stream.indirect.gather [spmem:s2], $0x40, s17, s14, $0xb8;
	[tilespmem:$0x8230] =	vst v63  }
0x6b: {  	_ =	swait.ge [sflag:s10], $0x2000  }
0x6c: {  	[sflag:s10] =	ssyncset.done $0x0  }
0x6d: {  	[sflag:s10] =	ssyncadd.s32 $0xFFFFE000  }
0x6e: {  	[hbm4b:s7+s1] =	stream.linear.scatter [tilespmem:s15], [sflag:$0x3], $0x2000, $0x38;
	[tilespmem:$0x8230] =	vst v63  }
0x6f: {  	_ =	swait.ge [sflag:s10], $0x2000  }
0x70: {  	[sflag:s10] =	ssyncset.done $0x0  }
0x71: {  	[sflag:s10] =	ssyncadd.s32 $0xFFFFE000  }
0x72: {  	[hbm4b:s6+s1] =	stream.linear.scatter [tilespmem:s11], [sflag:$0x3], $0x2000, $0x38;
	[tilespmem:$0x8230] =	vst v63  }
0x73: {  	_ =	swait.ge [sflag:s10], $0x2000  }
0x74: {  	[sflag:s10] =	ssyncset.done $0x0  }
0x75: {  	[sflag:s10] =	ssyncadd.s32 $0xFFFFE000  }
0x76: {  	[hbm4b:s4+s1] =	stream.linear.scatter [tilespmem:s9], [sflag:$0x3], $0x2000, $0x38;
	[tilespmem:$0x8230] =	vst v63  }
0x77: {  	_ =	swait.ge [sflag:s10], $0x2000  }
0x78: {  	[sflag:s10] =	ssyncset.done $0x0  }
0x79: {  	[sflag:s10] =	ssyncadd.s32 $0xFFFFE000  }
0x7a: {  	[hbm4b:s3+s1] =	stream.linear.scatter [tilespmem:s8], [sflag:$0x3], $0x2000, $0x38;
	[tilespmem:$0x8230] =	vst v63  }
0x7b: {  	_ =	swait.ge [sflag:s5], $0x2000  }
0x7c: {  	[sflag:s5] =	ssyncset.done $0x0  }
0x7d: {  	[sflag:s5] =	ssyncadd.s32 $0xFFFFE000  }
0x7e: {  	_ =	swait.ge [sflag:s5], $0x2000  }
0x7f: {  	[sflag:s5] =	ssyncset.done $0x0  }
0x80: {  	[sflag:s5] =	ssyncadd.s32 $0xFFFFE000  }
.Ltmp2:
0x81: {  	_ =	swait.ge [sflag:s5], $0x2000;
	(pc) =	sbr.rel @p2 .LBB2_2-.Ltmp2, $4  }
0x82: {  	[sflag:s5] =	ssyncset.done $0x0  }
0x83: {  	[sflag:s5] =	ssyncadd.s32 $0xFFFFE000  }
0x84: {  	_ =	swait.ge [sflag:s5], $0x2000  }
0x85: {  	[sflag:s5] =	ssyncset.done $0x0  }
.LBB2_3:
0x86: {  	s23 =	simm.s32 @!p0 $0x1C04;
	s24 =	simm.s32 @!p0 $0x4;
	[sflag:s5] =	ssyncadd.s32 @p1 $0xFFFFE000  }
0x87: {  	[spmem:s22], [sflag:s23] =	dma.local @!p0 [hbm:s12], $0x58  }
0x88: {  	_ =	swait.ge @!p0 [sflag:s24], $0x58  }
0x89: {  	[sflag:s24] =	ssyncset.done @!p0 $0x0  }
0x8a: {  	[sflag:s24] =	ssyncadd.s32 @!p0 $0xFFFFFFA8  }
0x8b: {  	[tilespmem:s1], [sflag:$0x1] =	stream.linear.gather [hbm4b:s13+s1], $0x80, $0x38;
	[tilespmem:$0x8230] =	vst v63  }
0x8c: {  	_ = 	snop  }
0x8d: {  	[tilespmem:s14], [sflag:$0x1] =	stream.linear.gather [hbm4b:s16+s1], $0x80, $0x38;
	[tilespmem:$0x8230] =	vst v63  }
0x8e: {  	_ = 	snop  }
0x8f: {  	[tilespmem:s20], [sflag:$0x1] =	stream.linear.gather [hbm4b:s18+s1], $0x80, $0x38;
	[tilespmem:$0x8230] =	vst v63  }
0x90: {  	_ = 	snop  }
0x91: {  	[tilespmem:s17], [sflag:$0x1] =	stream.linear.gather [hbm4b:s21+s1], $0x80, $0x38;
	[tilespmem:$0x8230] =	vst v63  }
0x92: {  	[bflag:$0x0] =	sbarrier.arrive $0xFFFF  }
0x93: {  	_ =	swait.ge [sflag:s19], $0x80  }
0x94: {  	[sflag:s19] =	ssyncset.done $0x0  }
0x95: {  	[sflag:s19] =	ssyncadd.s32 $0xFFFFFF80  }
0x96: {  	[tilespmem:s15], [sflag:$0x2] =	stream.indirect.gather [spmem:s2], $0x40, s1, s14, $0xb8;
	[tilespmem:$0x8230] =	vst v63  }
0x97: {  	_ =	swait.ge [sflag:s19], $0x80  }
0x98: {  	[sflag:s19] =	ssyncset.done $0x0  }
0x99: {  	[sflag:s19] =	ssyncadd.s32 $0xFFFFFF80  }
0x9a: {  	[tilespmem:s11], [sflag:$0x2] =	stream.indirect.gather [spmem:s2], $0x40, s14, s14, $0xb8;
	[tilespmem:$0x8230] =	vst v63  }
0x9b: {  	_ =	swait.ge [sflag:s19], $0x80  }
0x9c: {  	[sflag:s19] =	ssyncset.done $0x0  }
0x9d: {  	[sflag:s19] =	ssyncadd.s32 $0xFFFFFF80  }
0x9e: {  	[tilespmem:s9], [sflag:$0x2] =	stream.indirect.gather [spmem:s2], $0x40, s20, s14, $0xb8;
	[tilespmem:$0x8230] =	vst v63  }
0x9f: {  	_ =	swait.ge [sflag:s19], $0x80  }
0xa0: {  	[sflag:s19] =	ssyncset.done $0x0  }
0xa1: {  	[sflag:s19] =	ssyncadd.s32 $0xFFFFFF80  }
0xa2: {  	[tilespmem:s8], [sflag:$0x2] =	stream.indirect.gather [spmem:s2], $0x40, s17, s14, $0xb8;
	[tilespmem:$0x8230] =	vst v63  }
0xa3: {  	_ =	swait.ge [sflag:s10], $0x2000  }
0xa4: {  	[sflag:s10] =	ssyncset.done $0x0  }
0xa5: {  	[sflag:s10] =	ssyncadd.s32 $0xFFFFE000  }
0xa6: {  	[hbm4b:s7+s1] =	stream.linear.scatter [tilespmem:s15], [sflag:$0x3], $0x2000, $0x38;
	[tilespmem:$0x8230] =	vst v63  }
0xa7: {  	_ =	swait.ge [sflag:s10], $0x2000  }
0xa8: {  	[sflag:s10] =	ssyncset.done $0x0  }
0xa9: {  	[sflag:s10] =	ssyncadd.s32 $0xFFFFE000  }
0xaa: {  	[hbm4b:s6+s1] =	stream.linear.scatter [tilespmem:s11], [sflag:$0x3], $0x2000, $0x38;
	[tilespmem:$0x8230] =	vst v63  }
0xab: {  	_ =	swait.ge [sflag:s10], $0x2000  }
0xac: {  	[sflag:s10] =	ssyncset.done $0x0  }
0xad: {  	[sflag:s10] =	ssyncadd.s32 $0xFFFFE000  }
0xae: {  	[hbm4b:s4+s1] =	stream.linear.scatter [tilespmem:s9], [sflag:$0x3], $0x2000, $0x38;
	[tilespmem:$0x8230] =	vst v63  }
0xaf: {  	_ =	swait.ge [sflag:s10], $0x2000  }
0xb0: {  	[sflag:s10] =	ssyncset.done $0x0  }
0xb1: {  	[sflag:s10] =	ssyncadd.s32 $0xFFFFE000  }
0xb2: {  	[hbm4b:s3+s1] =	stream.linear.scatter [tilespmem:s8], [sflag:$0x3], $0x2000, $0x38;
	[tilespmem:$0x8230] =	vst v63  }
0xb3: {  	_ =	swait.ge [sflag:s5], $0x2000  }
0xb4: {  	[sflag:s5] =	ssyncset.done $0x0  }
0xb5: {  	[sflag:s5] =	ssyncadd.s32 $0xFFFFE000  }
0xb6: {  	_ =	swait.ge [sflag:s5], $0x2000  }
0xb7: {  	[sflag:s5] =	ssyncset.done $0x0  }
0xb8: {  	[sflag:s5] =	ssyncadd.s32 $0xFFFFE000  }
0xb9: {  	_ =	swait.ge [sflag:s5], $0x2000  }
0xba: {  	[sflag:s5] =	ssyncset.done $0x0  }
0xbb: {  	[sflag:s5] =	ssyncadd.s32 $0xFFFFE000  }
0xbc: {  	_ =	swait.ge [sflag:s5], $0x2000  }
0xbd: {  	[sflag:s5] =	ssyncset.done $0x0  }
0xbe: {  	[sflag:s5] =	ssyncadd.s32 $0xFFFFE000  }
0xbf: {  	_ =	sfence.sel $0x180000  }
0xc0: {  	[bflag:$0x0] =	sbarrier.arrive $0xFFFF  }
0xc1: {  	_ =	strace $0x90000047  }
0xc2: {  	s0 =	sadd.s32 @!p0 $0x100000, s0;
	[bflag:$0x2] =	sbarrier.arrive $0xFFFF  }
0xc3: {  	[sflag:s0] =	ssyncadd.tile.s32 @!p0 $0x1;
	_ =	shalt  }
.Lfunc_end2:
_tile_overlayer_lowered:
.L_overlay_start_2:
0xc4: {  	(tag) =	ssettag $0x2  }
0xc5: {  	s0 =	rddreg [dreg:$0x0];
	s2 =	stileid.u32  }
0xc6: {  	s1 =	rddreg [dreg:$0x1];
	p0 =	sne.s32 s2, $0x0  }
0xc7: {  	s3 =	rddreg [dreg:$0x2];
	[bflag:$0x3] =	sbarrier.arrive $0xFFFF;
	s2 =	simm.s32 @!p0 $0x1C04  }
0xc8: {  	[timem:s3], [sflag:s2] =	dma.local @!p0 [hbm:s0], s1  }
0xc9: {  	s0 =	simm.s32 @!p0 $0x4  }
0xca: {  	_ =	swait.ge @!p0 [sflag:s0], s1  }
0xcb: {  	s1 =	ssub.s32 @!p0 $0x0, s1;
	[sflag:s0] =	ssyncset.done @!p0 $0x0  }
0xcc: {  	[sflag:s0] =	ssyncadd.s32 @!p0 s1  }
0xcd: {  	[bflag:$0x3] =	sbarrier.arrive $0xFFFF  }
0xce: {  	_ =	shalt  }

</sc_bundles>
